<compile_context>
chip_gen: v7x
topology: tpu7x:2x2x1
jax: 0.10.2.dev20260603
libtpu: 0.0.44.dev20260713+nightly
codegen_flags: <defaults>
</compile_context>

<pallas_src>
import jax
import jax.numpy as jnp
from jax.experimental import pallas as pl
from jax.experimental.pallas import tpu as pltpu
from jax.experimental.pallas import tpu_sc as plsc

_TM = 2048
_NC = 2
_NS = 16
_NW = _NC * _NS


def _vq_tc_body(x_ref, cb_ref, esq_ref, idx_ref, loss_ref):
    x = x_ref[...]
    cb = cb_ref[...]
    e_sq = esq_ref[...]
    mm2 = jax.lax.dot_general(
        x + x, cb, (((1,), (1,)), ((), ())),
        preferred_element_type=jnp.float32)
    x_sq = jnp.sum(x * x, axis=1, keepdims=True)
    dists = x_sq - mm2 + e_sq
    mindist = jnp.min(dists, axis=1, keepdims=True)
    K = dists.shape[1]
    iota = jax.lax.broadcasted_iota(jnp.int32, dists.shape, 1)
    idx_ref[...] = jnp.min(jnp.where(dists == mindist, iota, K),
                           axis=1, keepdims=True)

    @pl.when(pl.program_id(0) == 0)
    def _():
        loss_ref[0, 0] = 0.0

    loss_ref[0, 0] += jnp.sum(mindist)


def _tc_argmin(flat, codebook, e_sq):
    rows, D = flat.shape
    K = codebook.shape[0]
    tm = min(_TM, rows)
    return pl.pallas_call(
        _vq_tc_body,
        grid=(rows // tm,),
        in_specs=[
            pl.BlockSpec((tm, D), lambda i: (i, 0)),
            pl.BlockSpec((K, D), lambda i: (0, 0)),
            pl.BlockSpec((1, K), lambda i: (0, 0)),
        ],
        out_specs=[
            pl.BlockSpec((tm, 1), lambda i: (i, 0)),
            pl.BlockSpec((1, 1), lambda i: (0, 0),
                         memory_space=pltpu.SMEM),
        ],
        out_shape=[
            jax.ShapeDtypeStruct((rows, 1), jnp.int32),
            jax.ShapeDtypeStruct((1, 1), jnp.float32),
        ],
    )(flat, codebook, e_sq)


def _sc_gather_call(codebook, idx_flat):
    rows = idx_flat.shape[0]
    K, D = codebook.shape
    b_per_w = rows // _NW
    n_ch = 1
    ch = b_per_w // n_ch
    idx3 = idx_flat.reshape(_NW, n_ch, ch)

    def _sc_gather(table_hbm, idx_hbm, out_hbm, idx_v, rows_v, *sems):
        gsems, wsem = sems[:n_ch], sems[n_ch]
        wid = jax.lax.axis_index("s") * _NC + jax.lax.axis_index("c")
        base = wid * b_per_w
        pltpu.sync_copy(idx_hbm.at[wid], idx_v)
        gathers = [
            pltpu.async_copy(table_hbm.at[idx_v.at[i]],
                             rows_v.at[pl.ds(i * ch, ch)], gsems[i])
            for i in range(n_ch)
        ]
        writes = []
        for i in range(n_ch):
            gathers[i].wait()
            writes.append(pltpu.async_copy(
                rows_v.at[pl.ds(i * ch, ch)],
                out_hbm.at[pl.ds(base + i * ch, ch)], wsem))
        for w in writes:
            w.wait()

    return pl.kernel(
        _sc_gather,
        out_type=jax.ShapeDtypeStruct((rows, D), jnp.float32),
        mesh=plsc.VectorSubcoreMesh(core_axis_name="c", subcore_axis_name="s"),
        scratch_types=[
            pltpu.VMEM((n_ch, ch), jnp.int32),
            pltpu.VMEM((b_per_w, D), jnp.float32),
        ] + [pltpu.SemaphoreType.DMA] * (n_ch + 1),
    )(codebook, idx3)


def kernel(z, codebook):
    B, N, D = z.shape
    flat = z.reshape(-1, D)
    R = flat.shape[0]
    e_sq = jnp.sum(codebook * codebook, axis=-1)[None, :]

    idx2d, lossp = _tc_argmin(flat, codebook, e_sq)
    qflat = _sc_gather_call(codebook, idx2d.reshape(R))
    quantize_st = qflat.reshape(B, N, D)
    embed_ind = idx2d.reshape(B, N)
    commit_loss = lossp[0, 0] / (B * N * D)
    return quantize_st, embed_ind, commit_loss

# --- scband reference (transcript-rebuilt; emitter-appended) ---
"""Pipeline reference for scband-vector-quantize-62440234549776 (READ-ONLY COPY).

The authoritative reference and input builder live on the scoring server;
editing this copy changes nothing except your own understanding.
"""

import jax, jax.numpy as jnp
import numpy as np


def setup_inputs(seed: int = 0) -> dict:
    key = jax.random.key(seed)
    k1, k2 = jax.random.split(key)
    z = jax.random.normal(k1, (8, 1024, 256), dtype=jnp.float32)
    # learned codebook parameter (EuclideanCodebook embed), sized per init_kwargs
    codebook = jax.random.normal(k2, (1024, 256), dtype=jnp.float32) * 0.02
    return {"z": z, "codebook": codebook}


def reference(z, codebook):
    # VectorQuantize forward (eval path): euclidean codebook quantization
    B, N, D = z.shape
    flat = z.reshape(-1, D)
    # squared euclidean distances: ||x||^2 - 2 x.e + ||e||^2
    x_sq = jnp.sum(flat * flat, axis=-1, keepdims=True)
    e_sq = jnp.sum(codebook * codebook, axis=-1)[None, :]
    dists = x_sq - 2.0 * (flat @ codebook.T) + e_sq
    embed_ind = jnp.argmin(dists, axis=-1)
    quantize = jnp.take(codebook, embed_ind, axis=0).reshape(B, N, D)
    # commitment loss (codebook detached)
    commit_loss = jnp.mean((jax.lax.stop_gradient(quantize) - z) ** 2) * 1.0
    # straight-through estimator
    quantize_st = z + jax.lax.stop_gradient(quantize - z)
    return quantize_st, embed_ind.reshape(B, N), commit_loss

if __name__ == "__main__":
    import jax
    _d = setup_inputs()
    print(jax.jit(kernel)(*tuple(_d.values())))

</pallas_src>

<mosaic_0001>
#map = affine_map<(d0, d1) -> (0, 0)>
#map1 = affine_map<(d0, d1) -> (0, 0, 0)>
module attributes {stable_mosaic.version = 14 : i64} {
  func.func @_sc_gather(%arg0: i32, %arg1: i32, %arg2: memref<1024x256xf32, #tpu.memory_space<hbm>>, %arg3: memref<32x1x256xi32, #tpu.memory_space<hbm>>, %arg4: memref<8192x256xf32, #tpu.memory_space<hbm>>, %arg5: memref<1x256xi32, #tpu.memory_space<vmem>>, %arg6: memref<256x256xf32, #tpu.memory_space<vmem>>, %arg7: memref<!tpu.dma_semaphore, #tpu.memory_space<semaphore_mem>>, %arg8: memref<!tpu.dma_semaphore, #tpu.memory_space<semaphore_mem>>) attributes {dimension_semantics = [#tpu.dimension_semantics<core_parallel>, #tpu.dimension_semantics<subcore_parallel>], iteration_bounds = array<i64: 2, 16>, scalar_prefetch = 0 : i64, scratch_operands = 4 : i64, tpu.core_type = #tpu.core_type<sc_vector_subcore>, window_params = [{transform_indices = #map}, {transform_indices = #map1}, {transform_indices = #map}]} {
    %mul3A = arith.constant 2 : i32
    %mul3A_0 = arith.muli %arg1, %mul3A : i32
    %add3A = arith.addi %mul3A_0, %arg0 : i32
    %mul3A_1 = arith.constant 256 : i32
    %mul3A_2 = arith.muli %add3A, %mul3A_1 : i32
    "tpu.region"() ({
      %run_scoped3A = tpu.sem_alloc : memref<!tpu.dma_semaphore, #tpu.memory_space<semaphore_mem>>
      %dma_start3A_43 = arith.constant 0 : i32
      %dma_start3A_44 = arith.constant 0 : i32
      %dma_start3A_45 = tpu.memref_slice %arg3[%add3A, %dma_start3A_43, %dma_start3A_44] : memref<32x1x256xi32, #tpu.memory_space<hbm>> -> memref<1x1x256xi32, #tpu.memory_space<hbm>>
      %dma_start3A_46 = tpu.memref_squeeze %dma_start3A_45 : memref<1x1x256xi32, #tpu.memory_space<hbm>> -> memref<1x256xi32, #tpu.memory_space<hbm>>
      %dma_start3A_47 = arith.constant 0 : i32
      %dma_start3A_48 = arith.constant 0 : i32
      %dma_start3A_49 = tpu.memref_slice %arg3[%add3A, %dma_start3A_47, %dma_start3A_48] : memref<32x1x256xi32, #tpu.memory_space<hbm>> -> memref<1x1x256xi32, #tpu.memory_space<hbm>>
      %dma_start3A_50 = tpu.memref_squeeze %dma_start3A_49 : memref<1x1x256xi32, #tpu.memory_space<hbm>> -> memref<1x256xi32, #tpu.memory_space<hbm>>
      tpu.enqueue_dma source(%dma_start3A_50 : memref<1x256xi32, #tpu.memory_space<hbm>>) target(%arg5 : memref<1x256xi32, #tpu.memory_space<vmem>>) target_semaphore(%run_scoped3A : memref<!tpu.dma_semaphore, #tpu.memory_space<semaphore_mem>>)
      %dma_wait3A_51 = arith.constant 0 : i32
      %dma_wait3A_52 = arith.constant 0 : i32
      %dma_wait3A_53 = tpu.memref_slice %arg3[%add3A, %dma_wait3A_51, %dma_wait3A_52] : memref<32x1x256xi32, #tpu.memory_space<hbm>> -> memref<1x1x256xi32, #tpu.memory_space<hbm>>
      %dma_wait3A_54 = tpu.memref_squeeze %dma_wait3A_53 : memref<1x1x256xi32, #tpu.memory_space<hbm>> -> memref<1x256xi32, #tpu.memory_space<hbm>>
      %dma_wait3A_55 = arith.constant 0 : i32
      %dma_wait3A_56 = arith.constant 0 : i32
      %dma_wait3A_57 = tpu.memref_slice %arg3[%add3A, %dma_wait3A_55, %dma_wait3A_56] : memref<32x1x256xi32, #tpu.memory_space<hbm>> -> memref<1x1x256xi32, #tpu.memory_space<hbm>>
      %dma_wait3A_58 = tpu.memref_squeeze %dma_wait3A_57 : memref<1x1x256xi32, #tpu.memory_space<hbm>> -> memref<1x256xi32, #tpu.memory_space<hbm>>
      tpu.wait_dma2 semaphore(%run_scoped3A : memref<!tpu.dma_semaphore, #tpu.memory_space<semaphore_mem>>) src(%dma_wait3A_58 : memref<1x256xi32, #tpu.memory_space<hbm>>) dst(%arg5 : memref<1x256xi32, #tpu.memory_space<vmem>>)
      tpu.yield
    }) : () -> ()
    %dma_start3A = arith.constant 0 : i32
    %dma_start3A_3 = arith.constant 0 : i32
    %dma_start3A_4 = arith.constant 0 : i32
    %dma_start3A_5 = tpu.memref_slice %arg6[%dma_start3A_3, %dma_start3A_4] : memref<256x256xf32, #tpu.memory_space<vmem>> -> memref<256x256xf32, #tpu.memory_space<vmem>>
    %dma_start3A_6 = arith.constant 0 : i32
    %dma_start3A_7 = tpu.memref_slice %arg5[%dma_start3A, %dma_start3A_6] : memref<1x256xi32, #tpu.memory_space<vmem>> -> memref<1x256xi32, #tpu.memory_space<vmem>>
    %dma_start3A_8 = tpu.memref_squeeze %dma_start3A_7 : memref<1x256xi32, #tpu.memory_space<vmem>> -> memref<256xi32, #tpu.memory_space<vmem>>
    %dma_start3A_9 = arith.constant 0 : i32
    %dma_start3A_10 = arith.constant 0 : i32
    %dma_start3A_11 = tpu.memref_slice %arg2[%dma_start3A_9, %dma_start3A_10] : memref<1024x256xf32, #tpu.memory_space<hbm>> -> memref<1024x256xf32, #tpu.memory_space<hbm>>
    tpu.enqueue_indirect_dma source(%dma_start3A_11 : memref<1024x256xf32, #tpu.memory_space<hbm>>) target(%dma_start3A_5 : memref<256x256xf32, #tpu.memory_space<vmem>>) offsets(%dma_start3A_8 : memref<256xi32, #tpu.memory_space<vmem>>) semaphore(%arg7 : memref<!tpu.dma_semaphore, #tpu.memory_space<semaphore_mem>>)
    %dma_wait3A = arith.constant 0 : i32
    %dma_wait3A_12 = arith.constant 0 : i32
    %dma_wait3A_13 = arith.constant 0 : i32
    %dma_wait3A_14 = tpu.memref_slice %arg6[%dma_wait3A_12, %dma_wait3A_13] : memref<256x256xf32, #tpu.memory_space<vmem>> -> memref<256x256xf32, #tpu.memory_space<vmem>>
    %dma_wait3A_15 = arith.constant 0 : i32
    %dma_wait3A_16 = tpu.memref_slice %arg5[%dma_wait3A, %dma_wait3A_15] : memref<1x256xi32, #tpu.memory_space<vmem>> -> memref<1x256xi32, #tpu.memory_space<vmem>>
    %dma_wait3A_17 = tpu.memref_squeeze %dma_wait3A_16 : memref<1x256xi32, #tpu.memory_space<vmem>> -> memref<256xi32, #tpu.memory_space<vmem>>
    %dma_wait3A_18 = arith.constant 0 : i32
    %dma_wait3A_19 = arith.constant 0 : i32
    %dma_wait3A_20 = tpu.memref_slice %arg2[%dma_wait3A_18, %dma_wait3A_19] : memref<1024x256xf32, #tpu.memory_space<hbm>> -> memref<1024x256xf32, #tpu.memory_space<hbm>>
    tpu.wait_indirect_dma semaphore(%arg7 : memref<!tpu.dma_semaphore, #tpu.memory_space<semaphore_mem>>) src(%dma_wait3A_20 : memref<1024x256xf32, #tpu.memory_space<hbm>>) dst(%dma_wait3A_14 : memref<256x256xf32, #tpu.memory_space<vmem>>)
    %add3A_21 = arith.constant 0 : i32
    %add3A_22 = arith.addi %mul3A_2, %add3A_21 : i32
    %dma_start3A_23 = arith.constant 0 : i32
    %dma_start3A_24 = arith.constant 0 : i32
    %dma_start3A_25 = tpu.memref_slice %arg6[%dma_start3A_23, %dma_start3A_24] : memref<256x256xf32, #tpu.memory_space<vmem>> -> memref<256x256xf32, #tpu.memory_space<vmem>>
    %dma_start3A_26 = arith.constant 0 : i32
    %dma_start3A_27 = tpu.memref_slice %arg4[%add3A_22, %dma_start3A_26] : memref<8192x256xf32, #tpu.memory_space<hbm>> -> memref<256x256xf32, #tpu.memory_space<hbm>>
    %dma_start3A_28 = arith.constant 0 : i32
    %dma_start3A_29 = tpu.memref_slice %arg4[%add3A_22, %dma_start3A_28] : memref<8192x256xf32, #tpu.memory_space<hbm>> -> memref<256x256xf32, #tpu.memory_space<hbm>>
    %dma_start3A_30 = arith.constant 0 : i32
    %dma_start3A_31 = arith.constant 0 : i32
    %dma_start3A_32 = tpu.memref_slice %arg6[%dma_start3A_30, %dma_start3A_31] : memref<256x256xf32, #tpu.memory_space<vmem>> -> memref<256x256xf32, #tpu.memory_space<vmem>>
    tpu.enqueue_dma source(%dma_start3A_32 : memref<256x256xf32, #tpu.memory_space<vmem>>) target(%dma_start3A_29 : memref<256x256xf32, #tpu.memory_space<hbm>>) target_semaphore(%arg8 : memref<!tpu.dma_semaphore, #tpu.memory_space<semaphore_mem>>)
    %dma_wait3A_33 = arith.constant 0 : i32
    %dma_wait3A_34 = arith.constant 0 : i32
    %dma_wait3A_35 = tpu.memref_slice %arg6[%dma_wait3A_33, %dma_wait3A_34] : memref<256x256xf32, #tpu.memory_space<vmem>> -> memref<256x256xf32, #tpu.memory_space<vmem>>
    %dma_wait3A_36 = arith.constant 0 : i32
    %dma_wait3A_37 = tpu.memref_slice %arg4[%add3A_22, %dma_wait3A_36] : memref<8192x256xf32, #tpu.memory_space<hbm>> -> memref<256x256xf32, #tpu.memory_space<hbm>>
    %dma_wait3A_38 = arith.constant 0 : i32
    %dma_wait3A_39 = tpu.memref_slice %arg4[%add3A_22, %dma_wait3A_38] : memref<8192x256xf32, #tpu.memory_space<hbm>> -> memref<256x256xf32, #tpu.memory_space<hbm>>
    %dma_wait3A_40 = arith.constant 0 : i32
    %dma_wait3A_41 = arith.constant 0 : i32
    %dma_wait3A_42 = tpu.memref_slice %arg6[%dma_wait3A_40, %dma_wait3A_41] : memref<256x256xf32, #tpu.memory_space<vmem>> -> memref<256x256xf32, #tpu.memory_space<vmem>>
    tpu.wait_dma2 semaphore(%arg8 : memref<!tpu.dma_semaphore, #tpu.memory_space<semaphore_mem>>) src(%dma_wait3A_42 : memref<256x256xf32, #tpu.memory_space<vmem>>) dst(%dma_wait3A_39 : memref<256x256xf32, #tpu.memory_space<hbm>>)
    return
  }
}

module attributes {stable_mosaic.version = 14 : i64} {
  func.func @_vq_tc_body(%arg0: i32, %arg1: memref<2048x256xf32, #tpu.memory_space<vmem>>, %arg2: memref<1024x256xf32, #tpu.memory_space<vmem>>, %arg3: memref<1x1024xf32, #tpu.memory_space<vmem>>, %arg4: memref<2048x1xi32, #tpu.memory_space<vmem>>, %arg5: memref<1x1xf32, #tpu.memory_space<smem>>) attributes {dimension_semantics = [#tpu.dimension_semantics<arbitrary>], iteration_bounds = array<i64: 4>, scalar_prefetch = 0 : i64, scratch_operands = 0 : i64, tpu.core_type = #tpu.core_type<tc>, window_params = [{transform_indices = @transform_0, window_bounds = array<i64: 2048, 256>}, {pipeline_mode = #tpu.pipeline_mode<synchronous>, transform_indices = @transform_1, window_bounds = array<i64: 1024, 256>}, {pipeline_mode = #tpu.pipeline_mode<synchronous>, transform_indices = @transform_2, window_bounds = array<i64: 1, 1024>}, {transform_indices = @transform_3, window_bounds = array<i64: 2048, 1>}, {transform_indices = @transform_4, window_bounds = array<i64: 1, 1>}]} {
    %get3A = arith.constant 0 : index
    %get3A_0 = arith.constant 0 : index
    %get3A_1 = vector.load %arg1[%get3A, %get3A_0] : memref<2048x256xf32, #tpu.memory_space<vmem>>, vector<2048x256xf32>
    %get3A_2 = arith.constant 0 : index
    %get3A_3 = arith.constant 0 : index
    %get3A_4 = vector.load %arg2[%get3A_2, %get3A_3] : memref<1024x256xf32, #tpu.memory_space<vmem>>, vector<1024x256xf32>
    %get3A_5 = arith.constant 0 : index
    %get3A_6 = arith.constant 0 : index
    %get3A_7 = vector.load %arg3[%get3A_5, %get3A_6] : memref<1x1024xf32, #tpu.memory_space<vmem>>, vector<1x1024xf32>
    %add3A = arith.addf %get3A_1, %get3A_1 : vector<2048x256xf32>
    %dot_general3A = arith.constant dense<0.000000e+00> : vector<2048x1024xf32>
    %dot_general3A_8 = tpu.matmul %add3A, %get3A_4, %dot_general3A {dimension_numbers = #tpu.dot_dimension_numbers<[1], [1], [0], [0], [0, 0, 1, 0], [], []>, transpose_lhs_hint = false} : vector<2048x256xf32>, vector<1024x256xf32>, vector<2048x1024xf32> -> vector<2048x1024xf32>
    %mul3A = arith.mulf %get3A_1, %get3A_1 : vector<2048x256xf32>
    %reduce_sum3A = arith.constant dense<0.000000e+00> : vector<2048xf32>
    %reduce_sum3A_9 = vector.multi_reduction <add>, %mul3A, %reduce_sum3A [1] : vector<2048x256xf32> to vector<2048xf32>
    %broadcast_in_dim3A = vector.shape_cast %reduce_sum3A_9 : vector<2048xf32> to vector<2048x1xf32>
    %sub3A = vector.broadcast %broadcast_in_dim3A : vector<2048x1xf32> to vector<2048x1024xf32>
    %sub3A_10 = arith.subf %sub3A, %dot_general3A_8 : vector<2048x1024xf32>
    %add3A_11 = vector.broadcast %get3A_7 : vector<1x1024xf32> to vector<2048x1024xf32>
    %add3A_12 = arith.addf %sub3A_10, %add3A_11 : vector<2048x1024xf32>
    %reduce_min3A = arith.constant dense<0x7F800000> : vector<2048xf32>
    %reduce_min3A_13 = vector.multi_reduction <minimumf>, %add3A_12, %reduce_min3A [1] : vector<2048x1024xf32> to vector<2048xf32>
    %broadcast_in_dim3A_14 = vector.shape_cast %reduce_min3A_13 : vector<2048xf32> to vector<2048x1xf32>
    %iota3A = tpu.iota {dimensions = array<i32: 1>} : vector<2048x1024xi32>
    %eq3A = vector.broadcast %broadcast_in_dim3A_14 : vector<2048x1xf32> to vector<2048x1024xf32>
    %eq3A_15 = arith.cmpf oeq, %add3A_12, %eq3A : vector<2048x1024xf32>
    %jit3A = arith.constant 1024 : i32
    %broadcast_in_dim3A_16 = vector.broadcast %jit3A : i32 to vector<2048x1024xi32>
    %select_n3A = arith.select %eq3A_15, %iota3A, %broadcast_in_dim3A_16 : vector<2048x1024xi1>, vector<2048x1024xi32>
    %reduce_min3A_17 = arith.constant dense<2147483647> : vector<2048xi32>
    %reduce_min3A_18 = vector.multi_reduction <minsi>, %select_n3A, %reduce_min3A_17 [1] : vector<2048x1024xi32> to vector<2048xi32>
    %broadcast_in_dim3A_19 = vector.shape_cast %reduce_min3A_18 : vector<2048xi32> to vector<2048x1xi32>
    %swap3A = arith.constant 0 : index
    %swap3A_20 = arith.constant 0 : index
    %swap3A_21 = vector.load %arg4[%swap3A, %swap3A_20] : memref<2048x1xi32, #tpu.memory_space<vmem>>, vector<2048x1xi32>
    tpu.vector_store %arg4[%swap3A, %swap3A_20], %broadcast_in_dim3A_19 {strides = array<i32>} : memref<2048x1xi32, #tpu.memory_space<vmem>>, vector<2048x1xi32>,
    %eq3A_22 = arith.constant 0 : i32
    %eq3A_23 = arith.cmpi eq, %arg0, %eq3A_22 : i32
    %convert_element_type3A = arith.extui %eq3A_23 : i1 to i32
    %cond3A = arith.constant 0 : i32
    %cond3A_24 = arith.cmpi ne, %convert_element_type3A, %cond3A : i32
    scf.if %cond3A_24 {
      %swap3A_37 = arith.constant 0.000000e+00 : f32
      %swap3A_38 = arith.constant 0 : index
      %swap3A_39 = arith.constant 0 : index
      %swap3A_40 = memref.load %arg5[%swap3A_38, %swap3A_39] : memref<1x1xf32, #tpu.memory_space<smem>>
      memref.store %swap3A_37, %arg5[%swap3A_38, %swap3A_39] : memref<1x1xf32, #tpu.memory_space<smem>>
    } else {
    }
    %get3A_25 = arith.constant 0 : index
    %get3A_26 = arith.constant 0 : index
    %get3A_27 = memref.load %arg5[%get3A_25, %get3A_26] : memref<1x1xf32, #tpu.memory_space<smem>>
    %reduce_sum3A_28 = vector.shape_cast %broadcast_in_dim3A_14 : vector<2048x1xf32> to vector<1x2048x1xf32>
    %reduce_sum3A_29 = arith.constant dense<0.000000e+00> : vector<1xf32>
    %reduce_sum3A_30 = vector.multi_reduction <add>, %reduce_sum3A_28, %reduce_sum3A_29 [1, 2] : vector<1x2048x1xf32> to vector<1xf32>
    %reduce_sum3A_31 = vector.shape_cast %reduce_sum3A_30 : vector<1xf32> to vector<1x1x1xf32>
    %reduce_sum3A_32 = vector.extract %reduce_sum3A_31[0, 0, 0] : f32 from vector<1x1x1xf32>
    %add3A_33 = arith.addf %get3A_27, %reduce_sum3A_32 : f32
    %swap3A_34 = arith.constant 0 : index
    %swap3A_35 = arith.constant 0 : index
    %swap3A_36 = memref.load %arg5[%swap3A_34, %swap3A_35] : memref<1x1xf32, #tpu.memory_space<smem>>
    memref.store %add3A_33, %arg5[%swap3A_34, %swap3A_35] : memref<1x1xf32, #tpu.memory_space<smem>>
    return
  }
  func.func @transform_0(%arg0: i32) -> (i32, i32) {
    %c0_i32 = arith.constant 0 : i32
    %c0_i32_0 = arith.constant 0 : i32
    return %arg0, %c0_i32 : i32, i32
  }
  func.func @transform_1(%arg0: i32) -> (i32, i32) {
    %c0_i32 = arith.constant 0 : i32
    %c0_i32_0 = arith.constant 0 : i32
    %c0_i32_1 = arith.constant 0 : i32
    return %c0_i32, %c0_i32_0 : i32, i32
  }
  func.func @transform_2(%arg0: i32) -> (i32, i32) {
    %c0_i32 = arith.constant 0 : i32
    %c0_i32_0 = arith.constant 0 : i32
    %c0_i32_1 = arith.constant 0 : i32
    return %c0_i32, %c0_i32_0 : i32, i32
  }
  func.func @transform_3(%arg0: i32) -> (i32, i32) {
    %c0_i32 = arith.constant 0 : i32
    %c0_i32_0 = arith.constant 0 : i32
    return %arg0, %c0_i32 : i32, i32
  }
  func.func @transform_4(%arg0: i32) -> (i32, i32) {
    %c0_i32 = arith.constant 0 : i32
    %c0_i32_0 = arith.constant 0 : i32
    %c0_i32_1 = arith.constant 0 : i32
    return %c0_i32, %c0_i32_0 : i32, i32
  }
}

</mosaic_0001>

<sc_bundles>
// kernel: kernel.4.cloned.1.call-start
scs
__scs_entry_jumppad:
0x0: {  	(pc) =	sbr.rel $0x88, $3  }
0x1: {  	(tag) =	ssettag $0x0;
	lr =	simm.s32 $0x1  }
0x2: {  	[smem:$0x3F9F] =	sst lr;
	_ =	strace $0xD0000000  }
0x3: {  	_ = 	snop  }
0x4: {  	_ = 	snop  }
0x5: {  	_ = 	snop  }
0x6: {  	_ = 	snop  }
0x7: {  	_ = 	snop  }
__scs_overlays_trampoline_lowered:
0x8: {  	[smem:$0x3FAE] =	sst s0  }
0x9: {  	[smem:$0x3FAF] =	sst s1  }
0xa: {  	[smem:$0x3FB0] =	sst s2  }
0xb: {  	[smem:$0x3FB1] =	sst s3  }
0xc: {  	[smem:$0x3FB2] =	sst s4  }
0xd: {  	[smem:$0x3FB3] =	sst s5  }
0xe: {  	[smem:$0x3FB4] =	sst s6  }
0xf: {  	[smem:$0x3FB5] =	sst s7  }
0x10: {  	[smem:$0x3FB6] =	sst s8  }
0x11: {  	[smem:$0x3FB7] =	sst s9;
	s0 =	simm.s32 @!p0 $0x0  }
0x12: {  	s1 =	sld [smem:$0x3F9D];
	s0 =	simm.s32 @p0 $0x1  }
0x13: {  	[smem:$0x3FB8] =	sst s0;
	s0 =	simm.s32 @!p1 $0x0  }
0x14: {  	s2 =	sld [smem:$0x3F9C];
	s0 =	simm.s32 @p1 $0x1  }
0x15: {  	[smem:$0x3FB9] =	sst s0;
	s0 =	simm.s32 @!p2 $0x0  }
0x16: {  	s3 =	sld [smem:$0x3FDB];
	s0 =	simm.s32 @p2 $0x1  }
0x17: {  	s4 =	simm.s32 $0x1BF5;
	[smem:$0x3FBB] =	sst s0  }
0x18: {  	s0 =	sld [smem:$0x3F9E];
	_ =	swait.ge [sflag:s4], $0x0  }
0x19: {  	s7 =	sld [smem:$0x3F9F]  }
0x1a: {  	s8 =	sadd.s32 $0xFFFFE003, lr  }
0x1b: {  	s9 =	sadd.s32 $0xFFFFFEF7, lr;
	s5 =	simm.s32 $0xFFFFFFFF;
	p2 =	slt.u32 s8, $0xFFFFF086  }
0x1c: {  	p1 =	slt.u32 s9, $0xF7A;
	s5 =	simm.s32 @!p2 $0x0  }
0x1d: {  	s5 =	simm.s32 @p1 $0x1;
	p0 =	seq.s32 s7, s2  }
0x1e: {  	s7 =	smul.u32 @!p0 $0xF7A, s2;
	p2 =	seq.s32 @!p0 s5, $0x0  }
0x1f: {  	s9 =	smul.u32 $0xF7A, s1;
	s8 =	simm.s32 @!p0 $0x1BF5;
	p2 =	por !p2, p0  }
0x20: {  	[sflag:s8] =	ssyncset.s32 @!p0 $0xFFFFF086;
	s6 =	sadd.s32 @!p0 s3, s7;
	s7 =	simm.s32 @!p0 $0x108  }
0x21: {  	s3 =	sadd.s32 s3, s9;
	s6 =	sadd.s32 @!p0 $0x88, s6;
	s7 =	simm.s32 @p2 $0x1082  }
0x22: {  	[simem:s7], [sflag:s8] =	dma.local @!p0 [hbm:s6], $0xF7A  }
0x23: {  	s9 =	sor.u32 $0xD0000000, s2;
	s6 =	simm.s32 $0x108;
	_ =	swait.ge @!p0 [sflag:s8], $0x0  }
0x24: {  	s3 =	sadd.s32 $0x88, s3;
	s6 =	simm.s32 @!p1 $0x1082;
	[sflag:s4] =	ssyncset.s32 $0xFFFFF086  }
0x25: {  	[simem:s6], [sflag:s4] =	dma.local [hbm:s3], $0xF7A  }
0x26: {  	[smem:$0x3F9F] =	sst s1;
	(tag) =	ssettag s2;
	_ =	strace s9  }
0x27: {  	s1 =	sld [smem:$0x3FAF]  }
0x28: {  	s2 =	sld [smem:$0x3FB0]  }
0x29: {  	s4 =	sld [smem:$0x3FB2]  }
0x2a: {  	p0 =	seq.s32 s5, $0x0;
	s5 =	sld [smem:$0x3FB3]  }
0x2b: {  	s6 =	sld [smem:$0x3FB4]  }
0x2c: {  	s7 =	sld [smem:$0x3FB5]  }
0x2d: {  	s3 =	simm.s32 $0x108;
	s8 =	sld [smem:$0x3FB6]  }
0x2e: {  	s3 =	simm.s32 @!p0 $0x1082;
	s9 =	sld [smem:$0x3FB7]  }
0x2f: {  	lr =	sadd.s32 s0, s3;
	s0 =	sld [smem:$0x3FAE]  }
0x30: {  	s3 =	sld [smem:$0x3FB1]  }
0x31: {  	[smem:$0x3FBA] =	sst s10  }
0x32: {  	s10 =	sld [smem:$0x3FB8];
	_ =	sdelay $0x3  }
0x33: {  	p0 =	seq.s32 s10, $0x1;
	s10 =	sld [smem:$0x3FBA];
	_ =	sdelay $0x3  }
0x34: {  	[smem:$0x3FBA] =	sst s10  }
0x35: {  	s10 =	sld [smem:$0x3FB9];
	_ =	sdelay $0x3  }
0x36: {  	p1 =	seq.s32 s10, $0x1;
	s10 =	sld [smem:$0x3FBA];
	_ =	sdelay $0x3  }
0x37: {  	[smem:$0x3FBA] =	sst s10  }
0x38: {  	s10 =	sld [smem:$0x3FBB]  }
0x39: {  	_ = 	snop;
	(pc) =	sbr.ind lr, $3  }
0x3a: {  	_ = 	snop  }
0x3b: {  	_ = 	snop  }
0x3c: {  	p2 =	seq.s32 s10, $0x1;
	s10 =	sld [smem:$0x3FBA]  }
0x3d: {  	_ =	shalt  }
0x3e: {  	_ =	shalt  }
0x3f: {  	_ =	shalt  }
0x40: {  	_ =	shalt  }
0x41: {  	_ =	shalt  }
0x42: {  	_ =	shalt  }
0x43: {  	_ =	shalt  }
0x44: {  	_ =	shalt  }
0x45: {  	_ =	shalt  }
0x46: {  	_ =	shalt  }
0x47: {  	_ =	shalt  }
0x48: {  	_ =	shalt  }
0x49: {  	_ =	shalt  }
0x4a: {  	_ =	shalt  }
0x4b: {  	_ =	shalt  }
0x4c: {  	_ =	shalt  }
0x4d: {  	_ =	shalt  }
0x4e: {  	_ =	shalt  }
0x4f: {  	_ =	shalt  }
0x50: {  	_ =	shalt  }
0x51: {  	_ =	shalt  }
0x52: {  	_ =	shalt  }
0x53: {  	_ =	shalt  }
0x54: {  	_ =	shalt  }
0x55: {  	_ =	shalt  }
0x56: {  	_ =	shalt  }
0x57: {  	_ =	shalt  }
0x58: {  	_ =	shalt  }
0x59: {  	_ =	shalt  }
0x5a: {  	_ =	shalt  }
0x5b: {  	_ =	shalt  }
0x5c: {  	_ =	shalt  }
0x5d: {  	_ =	shalt  }
0x5e: {  	_ =	shalt  }
0x5f: {  	_ =	shalt  }
0x60: {  	_ =	shalt  }
0x61: {  	_ =	shalt  }
0x62: {  	_ =	shalt  }
0x63: {  	_ =	shalt  }
0x64: {  	_ =	shalt  }
0x65: {  	_ =	shalt  }
0x66: {  	_ =	shalt  }
0x67: {  	_ =	shalt  }
0x68: {  	_ =	shalt  }
0x69: {  	_ =	shalt  }
0x6a: {  	_ =	shalt  }
0x6b: {  	_ =	shalt  }
0x6c: {  	_ =	shalt  }
0x6d: {  	_ =	shalt  }
0x6e: {  	_ =	shalt  }
0x6f: {  	_ =	shalt  }
0x70: {  	_ =	shalt  }
0x71: {  	_ =	shalt  }
0x72: {  	_ =	shalt  }
0x73: {  	_ =	shalt  }
0x74: {  	_ =	shalt  }
0x75: {  	_ =	shalt  }
0x76: {  	_ =	shalt  }
0x77: {  	_ =	shalt  }
0x78: {  	_ =	shalt  }
0x79: {  	_ =	shalt  }
0x7a: {  	_ =	shalt  }
0x7b: {  	_ =	shalt  }
0x7c: {  	_ =	shalt  }
0x7d: {  	_ =	shalt  }
0x7e: {  	_ =	shalt  }
0x7f: {  	_ =	shalt  }
0x80: {  	_ =	shalt  }
0x81: {  	_ =	shalt  }
0x82: {  	_ =	shalt  }
0x83: {  	_ =	shalt  }
0x84: {  	_ =	shalt  }
0x85: {  	_ =	shalt  }
0x86: {  	_ =	shalt  }
0x87: {  	_ =	shalt  }
.Lfunc_end0:
.L_simem_size_0:
called_computation_lowered:
.L_overlay_start_0:
0x88: {  	s2 =	sld [smem:$0x3FD9]  }
0x89: {  	s3 =	sld [smem:$0x3FFE];
	_ =	sdelay $0x1  }
0x8a: {  	s1 =	srdreg.scid  }
0x8b: {  	s0 =	sand.u32 $0x1, s1  }
0x8c: {  	s14 =	sshll.u32 s0, $0xA;
	s2 =	sadd.s32 s3, s2  }
0x8d: {  	s2 =	sadd.s32 s2, s14  }
0x8e: {  	[smem:$0x3FC6] =	sst s2  }
0x8f: {  	_ = 	snop  }
0x90: {  	s2 =	sld [smem:$0x3FD0];
	_ =	sdelay $0x2  }
0x91: {  	s4 =	simm.s32 $0xA;
	s5 =	simm.s32 $0x10;
	s15 =	sld [smem:$0x3FC8]  }
0x92: {  	[smem:s5], [sflag:s4] =	dma.local [hbm:s2], $0x1  }
0x93: {  	_ =	swait.eq [sflag:s4], $0x1  }
0x94: {  	[sflag:s4] =	ssyncset.done $0x0  }
0x95: {  	[sflag:s4] =	ssyncadd.s32 $0xFFFFFFFF  }
0x96: {  	s16 =	sld [smem:$0x10];
	(tm) =	ssettm $0x1  }
0x97: {  	s17 =	sld [smem:$0x3FFB];
	_ =	sdelay $0x3  }
0x98: {  	_ =	strace s17  }
0x99: {  	s4 =	sld [smem:$0x3FFC];
	_ =	sdelay $0x3  }
0x9a: {  	_ =	strace s4  }
0x9b: {  	s4 =	sld [smem:$0x3FFD];
	_ =	sdelay $0x3  }
0x9c: {  	_ =	strace s4  }
0x9d: {  	_ =	strace $0x8FFFFFFF  }
0x9e: {  	s18 =	sld [smem:$0x3FDB];
	_ =	sdelay $0x1  }
0x9f: {  	s19 =	simm.s32 $_scs_section_size  }
0xa0: {  	s6 =	simm.s32 $_size__tile_overlayer_lowered;
	s7 =	simm.s32 $_tile_overlayer_lowered  }
0xa1: {  	s22 =	simm.s32 $0x1BFF;
	s21 =	sshll.u32 s7, $0x1;
	s4 =	sadd.s32 s19, s18  }
0xa2: {  	s8 =	simm.s32 $0x0;
	s20 =	sshll.u32 s6, $0x1;
	s6 =	sadd.s32 s21, s4  }
0xa3: {  	[timem:s8], [sflag:s22] =	dma.local [hbm:s6], s20  }
0xa4: {  	_ =	swait.ge [sflag:s22], s20  }
0xa5: {  	s5 =	ssub.s32 $0x0, s20;
	[sflag:s22] =	ssyncset.done $0x0  }
0xa6: {  	[sflag:s22] =	ssyncadd.s32 s5;
	_ =	sdelay $0x1  }
0xa7: {  	s23 =	simm.s32 $0x1B8B  }
0xa8: {  	_ =	swait.ge [sflag:s23], $0x1  }
0xa9: {  	[sflag:s23] =	ssyncset.done $0x0  }
0xaa: {  	s25 =	simm.s32 $0x1B8E;
	s24 =	sld [smem:$0x3FFE];
	[sflag:s23] =	ssyncadd.s32 $0xFFFFFFFF  }
0xab: {  	s26 =	simm.s32 $execute0_lowered;
	[smem:$0x3FD2] =	sst s25  }
0xac: {  	s6 =	sshll.u32 s26, $0x1;
	_ =	strace $0x80000046;
	[dreg:$0x1] =	wrdreg $0xFFFFFFFF  }
0xad: {  	s28 =	simm.s32 $_size_execute0_lowered;
	s4 =	sadd.s32 s4, s6;
	[dreg:$0x0] =	wrdreg $0x0  }
0xae: {  	s6 =	sshll.u32 s28, $0x1;
	[dreg:$0x2] =	wrdreg s4  }
0xaf: {  	[dreg:$0x3] =	wrdreg s6  }
0xb0: {  	[dreg:$0x4] =	wrdreg $0xC0  }
0xb1: {  	_ =	task [dreg:s8], $0x5FFFF  }
0xb2: {  	[dreg:$0x1] =	wrdreg $0xFFFFFFFF  }
0xb3: {  	[dreg:$0x0] =	wrdreg $0x60  }
0xb4: {  	[dreg:$0x2] =	wrdreg s15  }
0xb5: {  	[dreg:$0x3] =	wrdreg s24  }
0xb6: {  	[dreg:$0x4] =	wrdreg s16  }
0xb7: {  	[dreg:$0x5] =	wrdreg $0x9  }
0xb8: {  	_ =	task.clear_ibuf [dreg:s8], $0x6FFFF;
	_ =	strace $0x90000046  }
0xb9: {  	s29 =	simm.s32 $0x9;
	_ =	strace $0x80000048  }
0xba: {  	_ =	swait.ge [sflag:s29], $0x1  }
0xbb: {  	[sflag:s29] =	ssyncadd.s32 $0xFFFFFFFF  }
0xbc: {  	_ =	strace $0x90000048  }
0xbd: {  	_ =	sfence  }
0xbe: {  	s30 =	sld [smem:$0x0];
	_ =	sdelay $0x2  }
0xbf: {  	s31 =	sshll.u32 s1, $0xD;
	s1 =	sshrl.u32 s1, $0x2  }
0xc0: {  	s3 =	sand.u32 $0x4000, s31;
	s1 =	sadd.s32 s1, s30  }
0xc1: {  	s0 =	sor.u32 s3, s0;
	s1 =	sshll.u32 s1, $0x11  }
0xc2: {  	s0 =	sor.u32 s1, s0  }
0xc3: {  	s0 =	sadd.s32 $0x8F2B, s0  }
0xc4: {  	[sflag:s0] =	ssyncadd.remote.s32 $0x1  }
0xc5: {  	_ =	sfence.sel $0xFFFF  }
0xc6: {  	[dreg:$0x0] =	wrdreg $0xFFFFFFFF;
	(pc) =	sbr.abs _section_cstart, $3  }
0xc7: {  	[dreg:$0x1] =	wrdreg $0xFFFFFFFF  }
0xc8: {  	_ =	task.clear_ibuf [dreg:s8], $0x2FFFF;
	_ =	strace $0x9FFFFFFF  }
0xc9: {  	(tm) =	ssettm $0x7FFFFFFF  }
tec
execute0_lowered:
.L_overlay_start_1:
0x0: {  	(tag) =	ssettag $0x1  }
0x1: {  	s1 =	rddreg [dreg:$0x0]  }
0x2: {  	s2 =	srdreg.scid;
	s4 =	rddreg [dreg:$0x1]  }
0x3: {  	s0 =	stileid.u32;
	s6 =	rddreg [dreg:$0x2]  }
0x4: {  	s18 =	simm.s32 $0x900;
	s19 =	simm.s32 $0x1100;
	s20 =	simm.s32 $0x1900  }
0x5: {  	s21 =	simm.s32 $0x2100;
	s23 =	simm.s32 $0x2900;
	s24 =	simm.s32 $0x3100  }
0x6: {  	s25 =	simm.s32 $0x3900;
	s26 =	simm.s32 $0x4100;
	s8 =	simm.s32 $0x5100  }
0x7: {  	s9 =	simm.s32 $0x5900;
	s10 =	simm.s32 $0x6100;
	s11 =	simm.s32 $0x6900  }
0x8: {  	s12 =	simm.s32 $0x7100;
	s13 =	simm.s32 $0x7900;
	s2 =	sand.u32 $0x1, s2  }
0x9: {  	s14 =	simm.s32 $0x8100;
	s3 =	sshll.u32 s0, $0x9;
	s5 =	sshll.u32 s2, $0x8  }
0xa: {  	s15 =	simm.s32 $0x8900;
	s5 =	sor.u32 s5, s3;
	s3 =	simm.s32 $0x0  }
0xb: {  	s16 =	simm.s32 $0x9100;
	s28 =	simm.s32 $0xE900;
	[smem:$0x7FF] =	sst s3  }
0xc: {  	s29 =	simm.s32 $0xF100;
	_ =	strace $0x80000047;
	[dreg:$0x6] =	wrdreg s18  }
0xd: {  	s30 =	simm.s32 $0xF900;
	s2 =	ssub.s32 $0x2, s2;
	[dreg:$0x7] =	wrdreg s19  }
0xe: {  	s31 =	simm.s32 $0x1;
	s22 =	sshrl.u32 s2, $0x1;
	[dreg:$0x8] =	wrdreg s20  }
0xf: {  	s7 =	sshrl.u32 s5, $0x3;
	s5 =	sshll.u32 s5, $0x5;
	[dreg:$0x9] =	wrdreg s21  }
0x10: {  	s2 =	ssub.s32 s2, s22;
	s22 =	simm.s32 $0xC100;
	[dreg:$0xa] =	wrdreg s23  }
0x11: {  	s4 =	sadd.s32 s7, s4;
	s17 =	sadd.s32 s6, s5;
	[dreg:$0xb] =	wrdreg s24  }
0x12: {  	s5 =	simm.s32 $0x3;
	[dreg:$0xc] =	wrdreg s25;
	s6 =	simm.s32 $0x100  }
0x13: {  	[dreg:$0xd] =	wrdreg s26;
	s18 =	simm.s32 $0xA100;
	s19 =	simm.s32 $0xA900  }
0x14: {  	s20 =	simm.s32 $0xB100;
	s21 =	simm.s32 $0xB900;
	s23 =	simm.s32 $0xC900  }
0x15: {  	v2 =	vlaneseq.u32;
	s24 =	simm.s32 $0xD100;
	s25 =	simm.s32 $0xD900;
	s26 =	simm.s32 $0xE100  }
0x16: {  	vm0 =	vmmov $0xffff;
	v1 =	vshrl.u32 v2, $0x3;
	s4 =	sadd.s32 $0x200, s4;
	[dreg:$0x5] =	wrdreg s17;
	s17 =	simm.s32 $0x9900  }
0x17: {  	v0 =	vand.u32 $0x7, v2;
	v2 =	vor.u32 $0x8, v2;
	v1 =	vmul.u32 $0x8, v1;
	[dreg:$0x4] =	wrdreg s4;
	s4 =	smax.u32 s2, $0x1;
	s2 =	simm.s32 $0x2  }
.LBB2_1:
0x18: {  	s0 =	rddreg [dreg:$0x4]  }
0x19: {  	[tilespmem:s3], [sflag:$0x3] =	stream.linear.gather [hbm4b:s0+s3], $0x100, $0x38;
	[tilespmem:$0x10100] =	vst v63  }
0x1a: {  	_ =	swait.ge [sflag:s5], $0x100  }
0x1b: {  	[sflag:s5] =	ssyncset.done $0x0  }
0x1c: {  	[sflag:s5] =	ssyncadd.s32 $0xFFFFFF00  }
0x1d: {  	v3 =	vld [tilespmem:$0x0];
	_ =	sdelay $0x4  }
0x1e: {  	v4 =	vshll.u32 v3, $0x1  }
0x1f: {  	v3 =	vand.u32 $0x7, v3;
	v4 =	vand.u32 $0xFFFFFFF0, v4  }
0x20: {  	v3 =	vor.u32 v3, v4  }
0x21: {  	v4 =	vperm.xlane v3, v0;
	_ =	sdelay $0x1  }
0x22: {  	v3 =	vperm.xlane v3, v2;
	v4 =	vadd.s32 v1, v4;
	_ =	sdelay $0x1  }
0x23: {  	v3 =	vadd.s32 v1, v3;
	_ =	sdelay $0x2  }
0x24: {  	[tilespmem:s6], [sflag:$0x1] =	stream.indirect_vreg.gather [hbm4b:s1+s3], $0x80, v4, vm0, $0xb8;
	[tilespmem:$0x10100] =	vst v63  }
0x25: {  	s7 =	rddreg [dreg:$0x6]  }
0x26: {  	[tilespmem:s7], [sflag:$0x1] =	stream.indirect_vreg.gather [hbm4b:s1+s3], $0x80, v3, vm0, $0xb8;
	[tilespmem:$0x10100] =	vst v63  }
0x27: {  	v3 =	vld [tilespmem:$0x10];
	_ =	sdelay $0x4  }
0x28: {  	v49 =	vshll.u32 v3, $0x1  }
0x29: {  	v3 =	vand.u32 $0x7, v3;
	v4 =	vand.u32 $0xFFFFFFF0, v49  }
0x2a: {  	v3 =	vor.u32 v3, v4  }
0x2b: {  	v4 =	vperm.xlane v3, v0;
	_ =	sdelay $0x1  }
0x2c: {  	v3 =	vperm.xlane v3, v2;
	v4 =	vadd.s32 v1, v4;
	_ =	sdelay $0x1  }
0x2d: {  	v3 =	vadd.s32 v1, v3;
	_ =	sdelay $0x1  }
0x2e: {  	s0 =	rddreg [dreg:$0x7]  }
0x2f: {  	[tilespmem:s0], [sflag:$0x1] =	stream.indirect_vreg.gather [hbm4b:s1+s3], $0x80, v4, vm0, $0xb8;
	[tilespmem:$0x10100] =	vst v63  }
0x30: {  	s7 =	rddreg [dreg:$0x8]  }
0x31: {  	[tilespmem:s7], [sflag:$0x1] =	stream.indirect_vreg.gather [hbm4b:s1+s3], $0x80, v3, vm0, $0xb8;
	[tilespmem:$0x10100] =	vst v63  }
0x32: {  	v3 =	vld [tilespmem:$0x20];
	_ =	sdelay $0x4  }
0x33: {  	v50 =	vshll.u32 v3, $0x1  }
0x34: {  	v3 =	vand.u32 $0x7, v3;
	v4 =	vand.u32 $0xFFFFFFF0, v50  }
0x35: {  	v3 =	vor.u32 v3, v4  }
0x36: {  	v4 =	vperm.xlane v3, v0;
	_ =	sdelay $0x1  }
0x37: {  	v3 =	vperm.xlane v3, v2;
	v4 =	vadd.s32 v1, v4;
	_ =	sdelay $0x1  }
0x38: {  	v3 =	vadd.s32 v1, v3;
	_ =	sdelay $0x1  }
0x39: {  	s0 =	rddreg [dreg:$0x9]  }
0x3a: {  	[tilespmem:s0], [sflag:$0x1] =	stream.indirect_vreg.gather [hbm4b:s1+s3], $0x80, v4, vm0, $0xb8;
	[tilespmem:$0x10100] =	vst v63  }
0x3b: {  	s7 =	rddreg [dreg:$0xa]  }
0x3c: {  	[tilespmem:s7], [sflag:$0x1] =	stream.indirect_vreg.gather [hbm4b:s1+s3], $0x80, v3, vm0, $0xb8;
	[tilespmem:$0x10100] =	vst v63  }
0x3d: {  	v3 =	vld [tilespmem:$0x30];
	_ =	sdelay $0x4  }
0x3e: {  	v51 =	vshll.u32 v3, $0x1  }
0x3f: {  	v3 =	vand.u32 $0x7, v3;
	v4 =	vand.u32 $0xFFFFFFF0, v51  }
0x40: {  	v3 =	vor.u32 v3, v4  }
0x41: {  	v4 =	vperm.xlane v3, v0;
	_ =	sdelay $0x1  }
0x42: {  	v3 =	vperm.xlane v3, v2;
	v4 =	vadd.s32 v1, v4;
	_ =	sdelay $0x1  }
0x43: {  	v3 =	vadd.s32 v1, v3;
	_ =	sdelay $0x1  }
0x44: {  	s0 =	rddreg [dreg:$0xb]  }
0x45: {  	[tilespmem:s0], [sflag:$0x1] =	stream.indirect_vreg.gather [hbm4b:s1+s3], $0x80, v4, vm0, $0xb8;
	[tilespmem:$0x10100] =	vst v63  }
0x46: {  	s7 =	rddreg [dreg:$0xc]  }
0x47: {  	[tilespmem:s7], [sflag:$0x1] =	stream.indirect_vreg.gather [hbm4b:s1+s3], $0x80, v3, vm0, $0xb8;
	[tilespmem:$0x10100] =	vst v63  }
0x48: {  	v3 =	vld [tilespmem:$0x40];
	_ =	sdelay $0x4  }
0x49: {  	v52 =	vshll.u32 v3, $0x1  }
0x4a: {  	v3 =	vand.u32 $0x7, v3;
	v4 =	vand.u32 $0xFFFFFFF0, v52  }
0x4b: {  	v3 =	vor.u32 v3, v4  }
0x4c: {  	v4 =	vperm.xlane v3, v0;
	_ =	sdelay $0x1  }
0x4d: {  	v3 =	vperm.xlane v3, v2;
	v4 =	vadd.s32 v1, v4;
	_ =	sdelay $0x1  }
0x4e: {  	v3 =	vadd.s32 v1, v3;
	_ =	sdelay $0x1  }
0x4f: {  	s7 =	rddreg [dreg:$0xd]  }
0x50: {  	[tilespmem:s7], [sflag:$0x1] =	stream.indirect_vreg.gather [hbm4b:s1+s3], $0x80, v4, vm0, $0xb8;
	[tilespmem:$0x10100] =	vst v63  }
0x51: {  	s7 =	simm.s32 $0x4900  }
0x52: {  	[tilespmem:s7], [sflag:$0x1] =	stream.indirect_vreg.gather [hbm4b:s1+s3], $0x80, v3, vm0, $0xb8;
	[tilespmem:$0x10100] =	vst v63  }
0x53: {  	v3 =	vld [tilespmem:$0x50];
	_ =	sdelay $0x4  }
0x54: {  	v53 =	vshll.u32 v3, $0x1  }
0x55: {  	v3 =	vand.u32 $0x7, v3;
	v4 =	vand.u32 $0xFFFFFFF0, v53  }
0x56: {  	v3 =	vor.u32 v3, v4  }
0x57: {  	v4 =	vperm.xlane v3, v0;
	_ =	sdelay $0x1  }
0x58: {  	v3 =	vperm.xlane v3, v2;
	v4 =	vadd.s32 v1, v4;
	_ =	sdelay $0x1  }
0x59: {  	v3 =	vadd.s32 v1, v3;
	_ =	sdelay $0x2  }
0x5a: {  	[tilespmem:s8], [sflag:$0x1] =	stream.indirect_vreg.gather [hbm4b:s1+s3], $0x80, v4, vm0, $0xb8;
	[tilespmem:$0x10100] =	vst v63  }
0x5b: {  	_ = 	snop  }
0x5c: {  	[tilespmem:s9], [sflag:$0x1] =	stream.indirect_vreg.gather [hbm4b:s1+s3], $0x80, v3, vm0, $0xb8;
	[tilespmem:$0x10100] =	vst v63  }
0x5d: {  	v3 =	vld [tilespmem:$0x60];
	_ =	sdelay $0x4  }
0x5e: {  	v54 =	vshll.u32 v3, $0x1  }
0x5f: {  	v3 =	vand.u32 $0x7, v3;
	v4 =	vand.u32 $0xFFFFFFF0, v54  }
0x60: {  	v3 =	vor.u32 v3, v4  }
0x61: {  	v4 =	vperm.xlane v3, v0;
	_ =	sdelay $0x1  }
0x62: {  	v3 =	vperm.xlane v3, v2;
	v4 =	vadd.s32 v1, v4;
	_ =	sdelay $0x1  }
0x63: {  	v3 =	vadd.s32 v1, v3;
	_ =	sdelay $0x2  }
0x64: {  	[tilespmem:s10], [sflag:$0x1] =	stream.indirect_vreg.gather [hbm4b:s1+s3], $0x80, v4, vm0, $0xb8;
	[tilespmem:$0x10100] =	vst v63  }
0x65: {  	_ = 	snop  }
0x66: {  	[tilespmem:s11], [sflag:$0x1] =	stream.indirect_vreg.gather [hbm4b:s1+s3], $0x80, v3, vm0, $0xb8;
	[tilespmem:$0x10100] =	vst v63  }
0x67: {  	v3 =	vld [tilespmem:$0x70];
	_ =	sdelay $0x4  }
0x68: {  	v55 =	vshll.u32 v3, $0x1  }
0x69: {  	v3 =	vand.u32 $0x7, v3;
	v4 =	vand.u32 $0xFFFFFFF0, v55  }
0x6a: {  	v3 =	vor.u32 v3, v4  }
0x6b: {  	v4 =	vperm.xlane v3, v0;
	_ =	sdelay $0x1  }
0x6c: {  	v3 =	vperm.xlane v3, v2;
	v4 =	vadd.s32 v1, v4;
	_ =	sdelay $0x1  }
0x6d: {  	v3 =	vadd.s32 v1, v3;
	_ =	sdelay $0x2  }
0x6e: {  	[tilespmem:s12], [sflag:$0x1] =	stream.indirect_vreg.gather [hbm4b:s1+s3], $0x80, v4, vm0, $0xb8;
	[tilespmem:$0x10100] =	vst v63  }
0x6f: {  	_ = 	snop  }
0x70: {  	[tilespmem:s13], [sflag:$0x1] =	stream.indirect_vreg.gather [hbm4b:s1+s3], $0x80, v3, vm0, $0xb8;
	[tilespmem:$0x10100] =	vst v63  }
0x71: {  	v3 =	vld [tilespmem:$0x80];
	_ =	sdelay $0x4  }
0x72: {  	v56 =	vshll.u32 v3, $0x1  }
0x73: {  	v3 =	vand.u32 $0x7, v3;
	v4 =	vand.u32 $0xFFFFFFF0, v56  }
0x74: {  	v3 =	vor.u32 v3, v4  }
0x75: {  	v4 =	vperm.xlane v3, v0;
	_ =	sdelay $0x1  }
0x76: {  	v3 =	vperm.xlane v3, v2;
	v4 =	vadd.s32 v1, v4;
	_ =	sdelay $0x1  }
0x77: {  	v3 =	vadd.s32 v1, v3;
	_ =	sdelay $0x2  }
0x78: {  	[tilespmem:s14], [sflag:$0x1] =	stream.indirect_vreg.gather [hbm4b:s1+s3], $0x80, v4, vm0, $0xb8;
	[tilespmem:$0x10100] =	vst v63  }
0x79: {  	_ = 	snop  }
0x7a: {  	[tilespmem:s15], [sflag:$0x1] =	stream.indirect_vreg.gather [hbm4b:s1+s3], $0x80, v3, vm0, $0xb8;
	[tilespmem:$0x10100] =	vst v63  }
0x7b: {  	v3 =	vld [tilespmem:$0x90];
	_ =	sdelay $0x4  }
0x7c: {  	v57 =	vshll.u32 v3, $0x1  }
0x7d: {  	v3 =	vand.u32 $0x7, v3;
	v4 =	vand.u32 $0xFFFFFFF0, v57  }
0x7e: {  	v3 =	vor.u32 v3, v4  }
0x7f: {  	v4 =	vperm.xlane v3, v0;
	_ =	sdelay $0x1  }
0x80: {  	v3 =	vperm.xlane v3, v2;
	v4 =	vadd.s32 v1, v4;
	_ =	sdelay $0x1  }
0x81: {  	v3 =	vadd.s32 v1, v3;
	_ =	sdelay $0x2  }
0x82: {  	[tilespmem:s16], [sflag:$0x1] =	stream.indirect_vreg.gather [hbm4b:s1+s3], $0x80, v4, vm0, $0xb8;
	[tilespmem:$0x10100] =	vst v63  }
0x83: {  	_ = 	snop  }
0x84: {  	[tilespmem:s17], [sflag:$0x1] =	stream.indirect_vreg.gather [hbm4b:s1+s3], $0x80, v3, vm0, $0xb8;
	[tilespmem:$0x10100] =	vst v63  }
0x85: {  	v3 =	vld [tilespmem:$0xA0];
	_ =	sdelay $0x4  }
0x86: {  	v58 =	vshll.u32 v3, $0x1  }
0x87: {  	v3 =	vand.u32 $0x7, v3;
	v4 =	vand.u32 $0xFFFFFFF0, v58  }
0x88: {  	v3 =	vor.u32 v3, v4  }
0x89: {  	v4 =	vperm.xlane v3, v0;
	_ =	sdelay $0x1  }
0x8a: {  	v3 =	vperm.xlane v3, v2;
	v4 =	vadd.s32 v1, v4;
	_ =	sdelay $0x1  }
0x8b: {  	v3 =	vadd.s32 v1, v3;
	_ =	sdelay $0x2  }
0x8c: {  	[tilespmem:s18], [sflag:$0x1] =	stream.indirect_vreg.gather [hbm4b:s1+s3], $0x80, v4, vm0, $0xb8;
	[tilespmem:$0x10100] =	vst v63  }
0x8d: {  	_ = 	snop  }
0x8e: {  	[tilespmem:s19], [sflag:$0x1] =	stream.indirect_vreg.gather [hbm4b:s1+s3], $0x80, v3, vm0, $0xb8;
	[tilespmem:$0x10100] =	vst v63  }
0x8f: {  	v3 =	vld [tilespmem:$0xB0];
	_ =	sdelay $0x4  }
0x90: {  	v59 =	vshll.u32 v3, $0x1  }
0x91: {  	v3 =	vand.u32 $0x7, v3;
	v4 =	vand.u32 $0xFFFFFFF0, v59  }
0x92: {  	v3 =	vor.u32 v3, v4  }
0x93: {  	v4 =	vperm.xlane v3, v0;
	_ =	sdelay $0x1  }
0x94: {  	v3 =	vperm.xlane v3, v2;
	v4 =	vadd.s32 v1, v4;
	_ =	sdelay $0x1  }
0x95: {  	v3 =	vadd.s32 v1, v3;
	_ =	sdelay $0x2  }
0x96: {  	[tilespmem:s20], [sflag:$0x1] =	stream.indirect_vreg.gather [hbm4b:s1+s3], $0x80, v4, vm0, $0xb8;
	[tilespmem:$0x10100] =	vst v63  }
0x97: {  	_ = 	snop  }
0x98: {  	[tilespmem:s21], [sflag:$0x1] =	stream.indirect_vreg.gather [hbm4b:s1+s3], $0x80, v3, vm0, $0xb8;
	[tilespmem:$0x10100] =	vst v63  }
0x99: {  	v3 =	vld [tilespmem:$0xC0];
	_ =	sdelay $0x4  }
0x9a: {  	v60 =	vshll.u32 v3, $0x1  }
0x9b: {  	v3 =	vand.u32 $0x7, v3;
	v4 =	vand.u32 $0xFFFFFFF0, v60  }
0x9c: {  	v3 =	vor.u32 v3, v4  }
0x9d: {  	v4 =	vperm.xlane v3, v0;
	_ =	sdelay $0x1  }
0x9e: {  	v3 =	vperm.xlane v3, v2;
	v4 =	vadd.s32 v1, v4;
	_ =	sdelay $0x1  }
0x9f: {  	v3 =	vadd.s32 v1, v3;
	_ =	sdelay $0x2  }
0xa0: {  	[tilespmem:s22], [sflag:$0x1] =	stream.indirect_vreg.gather [hbm4b:s1+s3], $0x80, v4, vm0, $0xb8;
	[tilespmem:$0x10100] =	vst v63  }
0xa1: {  	_ = 	snop  }
0xa2: {  	[tilespmem:s23], [sflag:$0x1] =	stream.indirect_vreg.gather [hbm4b:s1+s3], $0x80, v3, vm0, $0xb8;
	[tilespmem:$0x10100] =	vst v63  }
0xa3: {  	v3 =	vld [tilespmem:$0xD0];
	_ =	sdelay $0x4  }
0xa4: {  	v61 =	vshll.u32 v3, $0x1  }
0xa5: {  	v3 =	vand.u32 $0x7, v3;
	v4 =	vand.u32 $0xFFFFFFF0, v61  }
0xa6: {  	v3 =	vor.u32 v3, v4  }
0xa7: {  	v4 =	vperm.xlane v3, v0;
	_ =	sdelay $0x1  }
0xa8: {  	v3 =	vperm.xlane v3, v2;
	v4 =	vadd.s32 v1, v4;
	_ =	sdelay $0x1  }
0xa9: {  	v3 =	vadd.s32 v1, v3;
	_ =	sdelay $0x2  }
0xaa: {  	[tilespmem:s24], [sflag:$0x1] =	stream.indirect_vreg.gather [hbm4b:s1+s3], $0x80, v4, vm0, $0xb8;
	[tilespmem:$0x10100] =	vst v63  }
0xab: {  	_ = 	snop  }
0xac: {  	[tilespmem:s25], [sflag:$0x1] =	stream.indirect_vreg.gather [hbm4b:s1+s3], $0x80, v3, vm0, $0xb8;
	[tilespmem:$0x10100] =	vst v63  }
0xad: {  	v3 =	vld [tilespmem:$0xE0];
	_ =	sdelay $0x4  }
0xae: {  	v62 =	vshll.u32 v3, $0x1  }
0xaf: {  	v3 =	vand.u32 $0x7, v3;
	v4 =	vand.u32 $0xFFFFFFF0, v62  }
0xb0: {  	v3 =	vor.u32 v3, v4  }
0xb1: {  	v4 =	vperm.xlane v3, v0;
	_ =	sdelay $0x1  }
0xb2: {  	v3 =	vperm.xlane v3, v2;
	v4 =	vadd.s32 v1, v4;
	_ =	sdelay $0x1  }
0xb3: {  	v3 =	vadd.s32 v1, v3;
	_ =	sdelay $0x2  }
0xb4: {  	[tilespmem:s26], [sflag:$0x1] =	stream.indirect_vreg.gather [hbm4b:s1+s3], $0x80, v4, vm0, $0xb8;
	[tilespmem:$0x10100] =	vst v63  }
0xb5: {  	_ = 	snop  }
0xb6: {  	[tilespmem:s28], [sflag:$0x1] =	stream.indirect_vreg.gather [hbm4b:s1+s3], $0x80, v3, vm0, $0xb8;
	[tilespmem:$0x10100] =	vst v63  }
0xb7: {  	v3 =	vld [tilespmem:$0xF0];
	_ =	sdelay $0x4  }
0xb8: {  	v63 =	vshll.u32 v3, $0x1  }
0xb9: {  	v3 =	vand.u32 $0x7, v3;
	v4 =	vand.u32 $0xFFFFFFF0, v63  }
0xba: {  	v3 =	vor.u32 v3, v4  }
0xbb: {  	v4 =	vperm.xlane v3, v0;
	_ =	sdelay $0x1  }
0xbc: {  	v3 =	vperm.xlane v3, v2;
	v4 =	vadd.s32 v1, v4;
	_ =	sdelay $0x1  }
0xbd: {  	v3 =	vadd.s32 v1, v3;
	_ =	sdelay $0x2  }
0xbe: {  	[tilespmem:s29], [sflag:$0x1] =	stream.indirect_vreg.gather [hbm4b:s1+s3], $0x80, v4, vm0, $0xb8;
	[tilespmem:$0x10100] =	vst v63  }
0xbf: {  	_ = 	snop  }
0xc0: {  	[tilespmem:s30], [sflag:$0x1] =	stream.indirect_vreg.gather [hbm4b:s1+s3], $0x80, v3, vm0, $0xb8;
	[tilespmem:$0x10100] =	vst v63  }
0xc1: {  	_ =	swait.ge [sflag:s31], $0x10000  }
0xc2: {  	p0 =	sne.s32 s4, $0x1;
	[sflag:s31] =	ssyncset.done $0x0  }
.Ltmp0:
0xc3: {  	s7 =	rddreg [dreg:$0x5];
	[sflag:s31] =	ssyncadd.s32 $0xFFFF0000;
	(pc) =	sbr.rel @p0 .LBB2_1-.Ltmp0, $4  }
0xc4: {  	[hbm4b:s7+s3] =	stream.linear.scatter [tilespmem:s6], [sflag:$0x2], $0x10000, $0x38;
	[tilespmem:$0x10100] =	vst v63  }
0xc5: {  	_ =	swait.ge [sflag:s2], $0x10000  }
0xc6: {  	[sflag:s2] =	ssyncset.done $0x0  }
0xc7: {  	s4 =	sadd.s32 $0xFFFFFFFF, s4;
	[sflag:s2] =	ssyncadd.s32 $0xFFFF0000  }
0xc8: {  	_ =	sfence.sel $0x180000  }
0xc9: {  	[bflag:$0x0] =	sbarrier.arrive $0xFFFF  }
0xca: {  	_ =	strace $0x90000047  }
0xcb: {  	s0 =	stileid.u32;
	[bflag:$0x2] =	sbarrier.arrive $0xFFFF  }
0xcc: {  	p0 =	sne.s32 s0, $0x0;
	s0 =	rddreg [dreg:$0x3]  }
0xcd: {  	s0 =	sadd.s32 @!p0 $0x100000, s0  }
0xce: {  	[sflag:s0] =	ssyncadd.tile.s32 @!p0 $0x1;
	_ =	shalt  }
.Lfunc_end2:
_tile_overlayer_lowered:
.L_overlay_start_2:
0xcf: {  	(tag) =	ssettag $0x2  }
0xd0: {  	s0 =	rddreg [dreg:$0x0];
	s2 =	stileid.u32  }
0xd1: {  	s1 =	rddreg [dreg:$0x1];
	p0 =	sne.s32 s2, $0x0  }
0xd2: {  	s3 =	rddreg [dreg:$0x2];
	[bflag:$0x3] =	sbarrier.arrive $0xFFFF;
	s2 =	simm.s32 @!p0 $0x1C03  }
0xd3: {  	[timem:s3], [sflag:s2] =	dma.local @!p0 [hbm:s0], s1  }
0xd4: {  	s0 =	simm.s32 @!p0 $0x3  }
0xd5: {  	_ =	swait.ge @!p0 [sflag:s0], s1  }
0xd6: {  	s1 =	ssub.s32 @!p0 $0x0, s1;
	[sflag:s0] =	ssyncset.done @!p0 $0x0  }
0xd7: {  	[sflag:s0] =	ssyncadd.s32 @!p0 s1  }
0xd8: {  	[bflag:$0x3] =	sbarrier.arrive $0xFFFF  }
0xd9: {  	_ =	shalt  }

</sc_bundles>
